<compile_context>
chip_gen: v7x
topology: tpu7x:2x2x1
jax: 0.10.2.dev20260603
libtpu: 0.0.44.dev20260713+nightly
codegen_flags: <defaults>
</compile_context>

<pallas_src>
import functools

import jax
import jax.numpy as jnp
from jax import lax
from jax.experimental import pallas as pl
from jax.experimental.pallas import tpu as pltpu
from jax.experimental.pallas import tpu_sc as plsc

LANES = 16
NC, NS = 2, 16
NW = NC * NS
PER_TILE = 3136
N_PAD = PER_TILE * NW
TAB = 128


def _rsqrt(s):
    y = 2.0 / (1.0 + s)
    for _ in range(3):
        y = y * (1.5 - 0.5 * s * y * y)
    return y


@functools.partial(
    pl.kernel,
    out_type=jax.ShapeDtypeStruct((N_PAD,), jnp.float32),
    mesh=plsc.VectorSubcoreMesh(core_axis_name="c", subcore_axis_name="s"),
    scratch_types=[
        pltpu.VMEM((PER_TILE,), jnp.float32),
        pltpu.VMEM((PER_TILE,), jnp.int32),
        pltpu.VMEM((TAB,), jnp.float32),
        pltpu.VMEM((PER_TILE,), jnp.float32),
    ],
    compiler_params=pltpu.CompilerParams(needs_layout_passes=False),
)
def _sc_scale(x_hbm, z_hbm, tab_hbm, out_hbm, x_v, z_v, tab_v, o_v):
    wid = lax.axis_index("s") * NC + lax.axis_index("c")
    base = wid * PER_TILE
    pltpu.sync_copy(x_hbm.at[pl.ds(base, PER_TILE)], x_v)
    pltpu.sync_copy(z_hbm.at[pl.ds(base, PER_TILE)], z_v)
    pltpu.sync_copy(tab_hbm, tab_v)

    for j in range(TAB // LANES):
        sl = pl.ds(j * LANES, LANES)
        tab_v[sl] = _rsqrt(tab_v[sl])

    @plsc.parallel_loop(0, PER_TILE, LANES, unroll=8)
    def _(off):
        z = z_v[pl.ds(off, LANES)]
        r = plsc.load_gather(tab_v, [z])
        o_v[pl.ds(off, LANES)] = x_v[pl.ds(off, LANES)] * r
    pltpu.sync_copy(o_v, out_hbm.at[pl.ds(base, PER_TILE)])


def kernel(x, Z, scales):
    n = x.shape[0]
    xp = jnp.pad(x, (0, N_PAD - n))
    zp = jnp.pad(Z, (0, N_PAD - n))
    tab = jnp.pad(scales[:, 0], (0, TAB - scales.shape[0]), constant_values=1.0)
    out = _sc_scale(xp, zp, tab)
    return out[:n]

# --- scband reference (transcript-rebuilt; emitter-appended) ---
"""Pipeline reference for scband-per-atom-scale-41515153883404 (READ-ONLY COPY).

The authoritative reference and input builder live on the scoring server;
editing this copy changes nothing except your own understanding.
"""

import jax, jax.numpy as jnp
import numpy as np

N_ATOMS = 100000
N_SPECIES = 119

def setup_inputs(seed: int = 0) -> dict:
    key = jax.random.key(seed)
    k1, k2, k3 = jax.random.split(key, 3)
    x = jax.random.normal(k1, (N_ATOMS,), dtype=jnp.float32)
    Z = jax.random.randint(k2, (N_ATOMS,), 0, N_SPECIES, dtype=jnp.int32)
    # learned per-species scales (variances), shape [n_species, 1], strictly positive
    scales = jax.random.uniform(k3, (N_SPECIES, 1), dtype=jnp.float32, minval=0.5, maxval=2.0)
    return {"x": x, "Z": Z, "scales": scales}

def reference(x, Z, scales):
    # PerAtomScale.forward, local-property branch:
    #   y = x / scales[graph.Z].squeeze() ** 0.5
    per_atom_scale = jnp.take(scales, Z, axis=0).squeeze(-1)  # [N_ATOMS]
    return x / per_atom_scale ** 0.5

if __name__ == "__main__":
    import jax
    _d = setup_inputs()
    print(jax.jit(kernel)(*tuple(_d.values())))

</pallas_src>

<mosaic_0001>
#map = affine_map<(d0, d1) -> (0)>
module attributes {stable_mosaic.version = 14 : i64} {
  func.func @_sc_scale(%arg0: i32, %arg1: i32, %arg2: memref<100352xf32, #tpu.memory_space<hbm>>, %arg3: memref<100352xi32, #tpu.memory_space<hbm>>, %arg4: memref<128xf32, #tpu.memory_space<hbm>>, %arg5: memref<100352xf32, #tpu.memory_space<hbm>>, %arg6: memref<3136xf32, #tpu.memory_space<vmem>>, %arg7: memref<3136xi32, #tpu.memory_space<vmem>>, %arg8: memref<128xf32, #tpu.memory_space<vmem>>, %arg9: memref<3136xf32, #tpu.memory_space<vmem>>) attributes {dimension_semantics = [#tpu.dimension_semantics<core_parallel>, #tpu.dimension_semantics<subcore_parallel>], iteration_bounds = array<i64: 2, 16>, scalar_prefetch = 0 : i64, scratch_operands = 4 : i64, tpu.core_type = #tpu.core_type<sc_vector_subcore>, window_params = [{transform_indices = #map}, {transform_indices = #map}, {transform_indices = #map}, {transform_indices = #map}]} {
    %mul3A = arith.constant 2 : i32
    %mul3A_0 = arith.muli %arg1, %mul3A : i32
    %add3A = arith.addi %mul3A_0, %arg0 : i32
    %mul3A_1 = arith.constant 3136 : i32
    %mul3A_2 = arith.muli %add3A, %mul3A_1 : i32
    "tpu.region"() ({
      %run_scoped3A = tpu.sem_alloc : memref<!tpu.dma_semaphore, #tpu.memory_space<semaphore_mem>>
      %dma_start3A = tpu.memref_slice %arg2[%mul3A_2] : memref<100352xf32, #tpu.memory_space<hbm>> -> memref<3136xf32, #tpu.memory_space<hbm>>
      %dma_start3A_297 = tpu.memref_slice %arg2[%mul3A_2] : memref<100352xf32, #tpu.memory_space<hbm>> -> memref<3136xf32, #tpu.memory_space<hbm>>
      tpu.enqueue_dma source(%dma_start3A_297 : memref<3136xf32, #tpu.memory_space<hbm>>) target(%arg6 : memref<3136xf32, #tpu.memory_space<vmem>>) target_semaphore(%run_scoped3A : memref<!tpu.dma_semaphore, #tpu.memory_space<semaphore_mem>>)
      %dma_wait3A = tpu.memref_slice %arg2[%mul3A_2] : memref<100352xf32, #tpu.memory_space<hbm>> -> memref<3136xf32, #tpu.memory_space<hbm>>
      %dma_wait3A_298 = tpu.memref_slice %arg2[%mul3A_2] : memref<100352xf32, #tpu.memory_space<hbm>> -> memref<3136xf32, #tpu.memory_space<hbm>>
      tpu.wait_dma2 semaphore(%run_scoped3A : memref<!tpu.dma_semaphore, #tpu.memory_space<semaphore_mem>>) src(%dma_wait3A_298 : memref<3136xf32, #tpu.memory_space<hbm>>) dst(%arg6 : memref<3136xf32, #tpu.memory_space<vmem>>)
      tpu.yield
    }) : () -> ()
    "tpu.region"() ({
      %run_scoped3A = tpu.sem_alloc : memref<!tpu.dma_semaphore, #tpu.memory_space<semaphore_mem>>
      %dma_start3A = tpu.memref_slice %arg3[%mul3A_2] : memref<100352xi32, #tpu.memory_space<hbm>> -> memref<3136xi32, #tpu.memory_space<hbm>>
      %dma_start3A_297 = tpu.memref_slice %arg3[%mul3A_2] : memref<100352xi32, #tpu.memory_space<hbm>> -> memref<3136xi32, #tpu.memory_space<hbm>>
      tpu.enqueue_dma source(%dma_start3A_297 : memref<3136xi32, #tpu.memory_space<hbm>>) target(%arg7 : memref<3136xi32, #tpu.memory_space<vmem>>) target_semaphore(%run_scoped3A : memref<!tpu.dma_semaphore, #tpu.memory_space<semaphore_mem>>)
      %dma_wait3A = tpu.memref_slice %arg3[%mul3A_2] : memref<100352xi32, #tpu.memory_space<hbm>> -> memref<3136xi32, #tpu.memory_space<hbm>>
      %dma_wait3A_298 = tpu.memref_slice %arg3[%mul3A_2] : memref<100352xi32, #tpu.memory_space<hbm>> -> memref<3136xi32, #tpu.memory_space<hbm>>
      tpu.wait_dma2 semaphore(%run_scoped3A : memref<!tpu.dma_semaphore, #tpu.memory_space<semaphore_mem>>) src(%dma_wait3A_298 : memref<3136xi32, #tpu.memory_space<hbm>>) dst(%arg7 : memref<3136xi32, #tpu.memory_space<vmem>>)
      tpu.yield
    }) : () -> ()
    "tpu.region"() ({
      %run_scoped3A = tpu.sem_alloc : memref<!tpu.dma_semaphore, #tpu.memory_space<semaphore_mem>>
      tpu.enqueue_dma source(%arg4 : memref<128xf32, #tpu.memory_space<hbm>>) target(%arg8 : memref<128xf32, #tpu.memory_space<vmem>>) target_semaphore(%run_scoped3A : memref<!tpu.dma_semaphore, #tpu.memory_space<semaphore_mem>>)
      tpu.wait_dma2 semaphore(%run_scoped3A : memref<!tpu.dma_semaphore, #tpu.memory_space<semaphore_mem>>) src(%arg4 : memref<128xf32, #tpu.memory_space<hbm>>) dst(%arg8 : memref<128xf32, #tpu.memory_space<vmem>>)
      tpu.yield
    }) : () -> ()
    %get3A = arith.constant 0 : index
    %get3A_3 = tpu.vector_load %arg8[%get3A] {strides = array<i32>} : memref<128xf32, #tpu.memory_space<vmem>>, vector<16xf32>,
    %add3A_4 = arith.constant 1.000000e+00 : f32
    %add3A_5 = vector.broadcast %add3A_4 : f32 to vector<16xf32>
    %add3A_6 = arith.addf %add3A_5, %get3A_3 : vector<16xf32>
    %div3A = arith.constant 2.000000e+00 : f32
    %div3A_7 = vector.broadcast %div3A : f32 to vector<16xf32>
    %div3A_8 = arith.divf %div3A_7, %add3A_6 : vector<16xf32>
    %mul3A_9 = arith.constant 5.000000e-01 : f32
    %mul3A_10 = vector.broadcast %mul3A_9 : f32 to vector<16xf32>
    %mul3A_11 = arith.mulf %mul3A_10, %get3A_3 : vector<16xf32>
    %mul3A_12 = arith.mulf %mul3A_11, %div3A_8 : vector<16xf32>
    %mul3A_13 = arith.mulf %mul3A_12, %div3A_8 : vector<16xf32>
    %sub3A = arith.constant 1.500000e+00 : f32
    %sub3A_14 = vector.broadcast %sub3A : f32 to vector<16xf32>
    %sub3A_15 = arith.subf %sub3A_14, %mul3A_13 : vector<16xf32>
    %mul3A_16 = arith.mulf %div3A_8, %sub3A_15 : vector<16xf32>
    %mul3A_17 = arith.constant 5.000000e-01 : f32
    %mul3A_18 = vector.broadcast %mul3A_17 : f32 to vector<16xf32>
    %mul3A_19 = arith.mulf %mul3A_18, %get3A_3 : vector<16xf32>
    %mul3A_20 = arith.mulf %mul3A_19, %mul3A_16 : vector<16xf32>
    %mul3A_21 = arith.mulf %mul3A_20, %mul3A_16 : vector<16xf32>
    %sub3A_22 = arith.constant 1.500000e+00 : f32
    %sub3A_23 = vector.broadcast %sub3A_22 : f32 to vector<16xf32>
    %sub3A_24 = arith.subf %sub3A_23, %mul3A_21 : vector<16xf32>
    %mul3A_25 = arith.mulf %mul3A_16, %sub3A_24 : vector<16xf32>
    %mul3A_26 = arith.constant 5.000000e-01 : f32
    %mul3A_27 = vector.broadcast %mul3A_26 : f32 to vector<16xf32>
    %mul3A_28 = arith.mulf %mul3A_27, %get3A_3 : vector<16xf32>
    %mul3A_29 = arith.mulf %mul3A_28, %mul3A_25 : vector<16xf32>
    %mul3A_30 = arith.mulf %mul3A_29, %mul3A_25 : vector<16xf32>
    %sub3A_31 = arith.constant 1.500000e+00 : f32
    %sub3A_32 = vector.broadcast %sub3A_31 : f32 to vector<16xf32>
    %sub3A_33 = arith.subf %sub3A_32, %mul3A_30 : vector<16xf32>
    %mul3A_34 = arith.mulf %mul3A_25, %sub3A_33 : vector<16xf32>
    %swap3A = arith.constant 0 : index
    %swap3A_35 = tpu.vector_load %arg8[%swap3A] {strides = array<i32>} : memref<128xf32, #tpu.memory_space<vmem>>, vector<16xf32>,
    tpu.vector_store %arg8[%swap3A], %mul3A_34 {strides = array<i32>} : memref<128xf32, #tpu.memory_space<vmem>>, vector<16xf32>,
    %get3A_36 = arith.constant 16 : index
    %get3A_37 = tpu.vector_load %arg8[%get3A_36] {strides = array<i32>} : memref<128xf32, #tpu.memory_space<vmem>>, vector<16xf32>,
    %add3A_38 = arith.constant 1.000000e+00 : f32
    %add3A_39 = vector.broadcast %add3A_38 : f32 to vector<16xf32>
    %add3A_40 = arith.addf %add3A_39, %get3A_37 : vector<16xf32>
    %div3A_41 = arith.constant 2.000000e+00 : f32
    %div3A_42 = vector.broadcast %div3A_41 : f32 to vector<16xf32>
    %div3A_43 = arith.divf %div3A_42, %add3A_40 : vector<16xf32>
    %mul3A_44 = arith.constant 5.000000e-01 : f32
    %mul3A_45 = vector.broadcast %mul3A_44 : f32 to vector<16xf32>
    %mul3A_46 = arith.mulf %mul3A_45, %get3A_37 : vector<16xf32>
    %mul3A_47 = arith.mulf %mul3A_46, %div3A_43 : vector<16xf32>
    %mul3A_48 = arith.mulf %mul3A_47, %div3A_43 : vector<16xf32>
    %sub3A_49 = arith.constant 1.500000e+00 : f32
    %sub3A_50 = vector.broadcast %sub3A_49 : f32 to vector<16xf32>
    %sub3A_51 = arith.subf %sub3A_50, %mul3A_48 : vector<16xf32>
    %mul3A_52 = arith.mulf %div3A_43, %sub3A_51 : vector<16xf32>
    %mul3A_53 = arith.constant 5.000000e-01 : f32
    %mul3A_54 = vector.broadcast %mul3A_53 : f32 to vector<16xf32>
    %mul3A_55 = arith.mulf %mul3A_54, %get3A_37 : vector<16xf32>
    %mul3A_56 = arith.mulf %mul3A_55, %mul3A_52 : vector<16xf32>
    %mul3A_57 = arith.mulf %mul3A_56, %mul3A_52 : vector<16xf32>
    %sub3A_58 = arith.constant 1.500000e+00 : f32
    %sub3A_59 = vector.broadcast %sub3A_58 : f32 to vector<16xf32>
    %sub3A_60 = arith.subf %sub3A_59, %mul3A_57 : vector<16xf32>
    %mul3A_61 = arith.mulf %mul3A_52, %sub3A_60 : vector<16xf32>
    %mul3A_62 = arith.constant 5.000000e-01 : f32
    %mul3A_63 = vector.broadcast %mul3A_62 : f32 to vector<16xf32>
    %mul3A_64 = arith.mulf %mul3A_63, %get3A_37 : vector<16xf32>
    %mul3A_65 = arith.mulf %mul3A_64, %mul3A_61 : vector<16xf32>
    %mul3A_66 = arith.mulf %mul3A_65, %mul3A_61 : vector<16xf32>
    %sub3A_67 = arith.constant 1.500000e+00 : f32
    %sub3A_68 = vector.broadcast %sub3A_67 : f32 to vector<16xf32>
    %sub3A_69 = arith.subf %sub3A_68, %mul3A_66 : vector<16xf32>
    %mul3A_70 = arith.mulf %mul3A_61, %sub3A_69 : vector<16xf32>
    %swap3A_71 = arith.constant 16 : index
    %swap3A_72 = tpu.vector_load %arg8[%swap3A_71] {strides = array<i32>} : memref<128xf32, #tpu.memory_space<vmem>>, vector<16xf32>,
    tpu.vector_store %arg8[%swap3A_71], %mul3A_70 {strides = array<i32>} : memref<128xf32, #tpu.memory_space<vmem>>, vector<16xf32>,
    %get3A_73 = arith.constant 32 : index
    %get3A_74 = tpu.vector_load %arg8[%get3A_73] {strides = array<i32>} : memref<128xf32, #tpu.memory_space<vmem>>, vector<16xf32>,
    %add3A_75 = arith.constant 1.000000e+00 : f32
    %add3A_76 = vector.broadcast %add3A_75 : f32 to vector<16xf32>
    %add3A_77 = arith.addf %add3A_76, %get3A_74 : vector<16xf32>
    %div3A_78 = arith.constant 2.000000e+00 : f32
    %div3A_79 = vector.broadcast %div3A_78 : f32 to vector<16xf32>
    %div3A_80 = arith.divf %div3A_79, %add3A_77 : vector<16xf32>
    %mul3A_81 = arith.constant 5.000000e-01 : f32
    %mul3A_82 = vector.broadcast %mul3A_81 : f32 to vector<16xf32>
    %mul3A_83 = arith.mulf %mul3A_82, %get3A_74 : vector<16xf32>
    %mul3A_84 = arith.mulf %mul3A_83, %div3A_80 : vector<16xf32>
    %mul3A_85 = arith.mulf %mul3A_84, %div3A_80 : vector<16xf32>
    %sub3A_86 = arith.constant 1.500000e+00 : f32
    %sub3A_87 = vector.broadcast %sub3A_86 : f32 to vector<16xf32>
    %sub3A_88 = arith.subf %sub3A_87, %mul3A_85 : vector<16xf32>
    %mul3A_89 = arith.mulf %div3A_80, %sub3A_88 : vector<16xf32>
    %mul3A_90 = arith.constant 5.000000e-01 : f32
    %mul3A_91 = vector.broadcast %mul3A_90 : f32 to vector<16xf32>
    %mul3A_92 = arith.mulf %mul3A_91, %get3A_74 : vector<16xf32>
    %mul3A_93 = arith.mulf %mul3A_92, %mul3A_89 : vector<16xf32>
    %mul3A_94 = arith.mulf %mul3A_93, %mul3A_89 : vector<16xf32>
    %sub3A_95 = arith.constant 1.500000e+00 : f32
    %sub3A_96 = vector.broadcast %sub3A_95 : f32 to vector<16xf32>
    %sub3A_97 = arith.subf %sub3A_96, %mul3A_94 : vector<16xf32>
    %mul3A_98 = arith.mulf %mul3A_89, %sub3A_97 : vector<16xf32>
    %mul3A_99 = arith.constant 5.000000e-01 : f32
    %mul3A_100 = vector.broadcast %mul3A_99 : f32 to vector<16xf32>
    %mul3A_101 = arith.mulf %mul3A_100, %get3A_74 : vector<16xf32>
    %mul3A_102 = arith.mulf %mul3A_101, %mul3A_98 : vector<16xf32>
    %mul3A_103 = arith.mulf %mul3A_102, %mul3A_98 : vector<16xf32>
    %sub3A_104 = arith.constant 1.500000e+00 : f32
    %sub3A_105 = vector.broadcast %sub3A_104 : f32 to vector<16xf32>
    %sub3A_106 = arith.subf %sub3A_105, %mul3A_103 : vector<16xf32>
    %mul3A_107 = arith.mulf %mul3A_98, %sub3A_106 : vector<16xf32>
    %swap3A_108 = arith.constant 32 : index
    %swap3A_109 = tpu.vector_load %arg8[%swap3A_108] {strides = array<i32>} : memref<128xf32, #tpu.memory_space<vmem>>, vector<16xf32>,
    tpu.vector_store %arg8[%swap3A_108], %mul3A_107 {strides = array<i32>} : memref<128xf32, #tpu.memory_space<vmem>>, vector<16xf32>,
    %get3A_110 = arith.constant 48 : index
    %get3A_111 = tpu.vector_load %arg8[%get3A_110] {strides = array<i32>} : memref<128xf32, #tpu.memory_space<vmem>>, vector<16xf32>,
    %add3A_112 = arith.constant 1.000000e+00 : f32
    %add3A_113 = vector.broadcast %add3A_112 : f32 to vector<16xf32>
    %add3A_114 = arith.addf %add3A_113, %get3A_111 : vector<16xf32>
    %div3A_115 = arith.constant 2.000000e+00 : f32
    %div3A_116 = vector.broadcast %div3A_115 : f32 to vector<16xf32>
    %div3A_117 = arith.divf %div3A_116, %add3A_114 : vector<16xf32>
    %mul3A_118 = arith.constant 5.000000e-01 : f32
    %mul3A_119 = vector.broadcast %mul3A_118 : f32 to vector<16xf32>
    %mul3A_120 = arith.mulf %mul3A_119, %get3A_111 : vector<16xf32>
    %mul3A_121 = arith.mulf %mul3A_120, %div3A_117 : vector<16xf32>
    %mul3A_122 = arith.mulf %mul3A_121, %div3A_117 : vector<16xf32>
    %sub3A_123 = arith.constant 1.500000e+00 : f32
    %sub3A_124 = vector.broadcast %sub3A_123 : f32 to vector<16xf32>
    %sub3A_125 = arith.subf %sub3A_124, %mul3A_122 : vector<16xf32>
    %mul3A_126 = arith.mulf %div3A_117, %sub3A_125 : vector<16xf32>
    %mul3A_127 = arith.constant 5.000000e-01 : f32
    %mul3A_128 = vector.broadcast %mul3A_127 : f32 to vector<16xf32>
    %mul3A_129 = arith.mulf %mul3A_128, %get3A_111 : vector<16xf32>
    %mul3A_130 = arith.mulf %mul3A_129, %mul3A_126 : vector<16xf32>
    %mul3A_131 = arith.mulf %mul3A_130, %mul3A_126 : vector<16xf32>
    %sub3A_132 = arith.constant 1.500000e+00 : f32
    %sub3A_133 = vector.broadcast %sub3A_132 : f32 to vector<16xf32>
    %sub3A_134 = arith.subf %sub3A_133, %mul3A_131 : vector<16xf32>
    %mul3A_135 = arith.mulf %mul3A_126, %sub3A_134 : vector<16xf32>
    %mul3A_136 = arith.constant 5.000000e-01 : f32
    %mul3A_137 = vector.broadcast %mul3A_136 : f32 to vector<16xf32>
    %mul3A_138 = arith.mulf %mul3A_137, %get3A_111 : vector<16xf32>
    %mul3A_139 = arith.mulf %mul3A_138, %mul3A_135 : vector<16xf32>
    %mul3A_140 = arith.mulf %mul3A_139, %mul3A_135 : vector<16xf32>
    %sub3A_141 = arith.constant 1.500000e+00 : f32
    %sub3A_142 = vector.broadcast %sub3A_141 : f32 to vector<16xf32>
    %sub3A_143 = arith.subf %sub3A_142, %mul3A_140 : vector<16xf32>
    %mul3A_144 = arith.mulf %mul3A_135, %sub3A_143 : vector<16xf32>
    %swap3A_145 = arith.constant 48 : index
    %swap3A_146 = tpu.vector_load %arg8[%swap3A_145] {strides = array<i32>} : memref<128xf32, #tpu.memory_space<vmem>>, vector<16xf32>,
    tpu.vector_store %arg8[%swap3A_145], %mul3A_144 {strides = array<i32>} : memref<128xf32, #tpu.memory_space<vmem>>, vector<16xf32>,
    %get3A_147 = arith.constant 64 : index
    %get3A_148 = tpu.vector_load %arg8[%get3A_147] {strides = array<i32>} : memref<128xf32, #tpu.memory_space<vmem>>, vector<16xf32>,
    %add3A_149 = arith.constant 1.000000e+00 : f32
    %add3A_150 = vector.broadcast %add3A_149 : f32 to vector<16xf32>
    %add3A_151 = arith.addf %add3A_150, %get3A_148 : vector<16xf32>
    %div3A_152 = arith.constant 2.000000e+00 : f32
    %div3A_153 = vector.broadcast %div3A_152 : f32 to vector<16xf32>
    %div3A_154 = arith.divf %div3A_153, %add3A_151 : vector<16xf32>
    %mul3A_155 = arith.constant 5.000000e-01 : f32
    %mul3A_156 = vector.broadcast %mul3A_155 : f32 to vector<16xf32>
    %mul3A_157 = arith.mulf %mul3A_156, %get3A_148 : vector<16xf32>
    %mul3A_158 = arith.mulf %mul3A_157, %div3A_154 : vector<16xf32>
    %mul3A_159 = arith.mulf %mul3A_158, %div3A_154 : vector<16xf32>
    %sub3A_160 = arith.constant 1.500000e+00 : f32
    %sub3A_161 = vector.broadcast %sub3A_160 : f32 to vector<16xf32>
    %sub3A_162 = arith.subf %sub3A_161, %mul3A_159 : vector<16xf32>
    %mul3A_163 = arith.mulf %div3A_154, %sub3A_162 : vector<16xf32>
    %mul3A_164 = arith.constant 5.000000e-01 : f32
    %mul3A_165 = vector.broadcast %mul3A_164 : f32 to vector<16xf32>
    %mul3A_166 = arith.mulf %mul3A_165, %get3A_148 : vector<16xf32>
    %mul3A_167 = arith.mulf %mul3A_166, %mul3A_163 : vector<16xf32>
    %mul3A_168 = arith.mulf %mul3A_167, %mul3A_163 : vector<16xf32>
    %sub3A_169 = arith.constant 1.500000e+00 : f32
    %sub3A_170 = vector.broadcast %sub3A_169 : f32 to vector<16xf32>
    %sub3A_171 = arith.subf %sub3A_170, %mul3A_168 : vector<16xf32>
    %mul3A_172 = arith.mulf %mul3A_163, %sub3A_171 : vector<16xf32>
    %mul3A_173 = arith.constant 5.000000e-01 : f32
    %mul3A_174 = vector.broadcast %mul3A_173 : f32 to vector<16xf32>
    %mul3A_175 = arith.mulf %mul3A_174, %get3A_148 : vector<16xf32>
    %mul3A_176 = arith.mulf %mul3A_175, %mul3A_172 : vector<16xf32>
    %mul3A_177 = arith.mulf %mul3A_176, %mul3A_172 : vector<16xf32>
    %sub3A_178 = arith.constant 1.500000e+00 : f32
    %sub3A_179 = vector.broadcast %sub3A_178 : f32 to vector<16xf32>
    %sub3A_180 = arith.subf %sub3A_179, %mul3A_177 : vector<16xf32>
    %mul3A_181 = arith.mulf %mul3A_172, %sub3A_180 : vector<16xf32>
    %swap3A_182 = arith.constant 64 : index
    %swap3A_183 = tpu.vector_load %arg8[%swap3A_182] {strides = array<i32>} : memref<128xf32, #tpu.memory_space<vmem>>, vector<16xf32>,
    tpu.vector_store %arg8[%swap3A_182], %mul3A_181 {strides = array<i32>} : memref<128xf32, #tpu.memory_space<vmem>>, vector<16xf32>,
    %get3A_184 = arith.constant 80 : index
    %get3A_185 = tpu.vector_load %arg8[%get3A_184] {strides = array<i32>} : memref<128xf32, #tpu.memory_space<vmem>>, vector<16xf32>,
    %add3A_186 = arith.constant 1.000000e+00 : f32
    %add3A_187 = vector.broadcast %add3A_186 : f32 to vector<16xf32>
    %add3A_188 = arith.addf %add3A_187, %get3A_185 : vector<16xf32>
    %div3A_189 = arith.constant 2.000000e+00 : f32
    %div3A_190 = vector.broadcast %div3A_189 : f32 to vector<16xf32>
    %div3A_191 = arith.divf %div3A_190, %add3A_188 : vector<16xf32>
    %mul3A_192 = arith.constant 5.000000e-01 : f32
    %mul3A_193 = vector.broadcast %mul3A_192 : f32 to vector<16xf32>
    %mul3A_194 = arith.mulf %mul3A_193, %get3A_185 : vector<16xf32>
    %mul3A_195 = arith.mulf %mul3A_194, %div3A_191 : vector<16xf32>
    %mul3A_196 = arith.mulf %mul3A_195, %div3A_191 : vector<16xf32>
    %sub3A_197 = arith.constant 1.500000e+00 : f32
    %sub3A_198 = vector.broadcast %sub3A_197 : f32 to vector<16xf32>
    %sub3A_199 = arith.subf %sub3A_198, %mul3A_196 : vector<16xf32>
    %mul3A_200 = arith.mulf %div3A_191, %sub3A_199 : vector<16xf32>
    %mul3A_201 = arith.constant 5.000000e-01 : f32
    %mul3A_202 = vector.broadcast %mul3A_201 : f32 to vector<16xf32>
    %mul3A_203 = arith.mulf %mul3A_202, %get3A_185 : vector<16xf32>
    %mul3A_204 = arith.mulf %mul3A_203, %mul3A_200 : vector<16xf32>
    %mul3A_205 = arith.mulf %mul3A_204, %mul3A_200 : vector<16xf32>
    %sub3A_206 = arith.constant 1.500000e+00 : f32
    %sub3A_207 = vector.broadcast %sub3A_206 : f32 to vector<16xf32>
    %sub3A_208 = arith.subf %sub3A_207, %mul3A_205 : vector<16xf32>
    %mul3A_209 = arith.mulf %mul3A_200, %sub3A_208 : vector<16xf32>
    %mul3A_210 = arith.constant 5.000000e-01 : f32
    %mul3A_211 = vector.broadcast %mul3A_210 : f32 to vector<16xf32>
    %mul3A_212 = arith.mulf %mul3A_211, %get3A_185 : vector<16xf32>
    %mul3A_213 = arith.mulf %mul3A_212, %mul3A_209 : vector<16xf32>
    %mul3A_214 = arith.mulf %mul3A_213, %mul3A_209 : vector<16xf32>
    %sub3A_215 = arith.constant 1.500000e+00 : f32
    %sub3A_216 = vector.broadcast %sub3A_215 : f32 to vector<16xf32>
    %sub3A_217 = arith.subf %sub3A_216, %mul3A_214 : vector<16xf32>
    %mul3A_218 = arith.mulf %mul3A_209, %sub3A_217 : vector<16xf32>
    %swap3A_219 = arith.constant 80 : index
    %swap3A_220 = tpu.vector_load %arg8[%swap3A_219] {strides = array<i32>} : memref<128xf32, #tpu.memory_space<vmem>>, vector<16xf32>,
    tpu.vector_store %arg8[%swap3A_219], %mul3A_218 {strides = array<i32>} : memref<128xf32, #tpu.memory_space<vmem>>, vector<16xf32>,
    %get3A_221 = arith.constant 96 : index
    %get3A_222 = tpu.vector_load %arg8[%get3A_221] {strides = array<i32>} : memref<128xf32, #tpu.memory_space<vmem>>, vector<16xf32>,
    %add3A_223 = arith.constant 1.000000e+00 : f32
    %add3A_224 = vector.broadcast %add3A_223 : f32 to vector<16xf32>
    %add3A_225 = arith.addf %add3A_224, %get3A_222 : vector<16xf32>
    %div3A_226 = arith.constant 2.000000e+00 : f32
    %div3A_227 = vector.broadcast %div3A_226 : f32 to vector<16xf32>
    %div3A_228 = arith.divf %div3A_227, %add3A_225 : vector<16xf32>
    %mul3A_229 = arith.constant 5.000000e-01 : f32
    %mul3A_230 = vector.broadcast %mul3A_229 : f32 to vector<16xf32>
    %mul3A_231 = arith.mulf %mul3A_230, %get3A_222 : vector<16xf32>
    %mul3A_232 = arith.mulf %mul3A_231, %div3A_228 : vector<16xf32>
    %mul3A_233 = arith.mulf %mul3A_232, %div3A_228 : vector<16xf32>
    %sub3A_234 = arith.constant 1.500000e+00 : f32
    %sub3A_235 = vector.broadcast %sub3A_234 : f32 to vector<16xf32>
    %sub3A_236 = arith.subf %sub3A_235, %mul3A_233 : vector<16xf32>
    %mul3A_237 = arith.mulf %div3A_228, %sub3A_236 : vector<16xf32>
    %mul3A_238 = arith.constant 5.000000e-01 : f32
    %mul3A_239 = vector.broadcast %mul3A_238 : f32 to vector<16xf32>
    %mul3A_240 = arith.mulf %mul3A_239, %get3A_222 : vector<16xf32>
    %mul3A_241 = arith.mulf %mul3A_240, %mul3A_237 : vector<16xf32>
    %mul3A_242 = arith.mulf %mul3A_241, %mul3A_237 : vector<16xf32>
    %sub3A_243 = arith.constant 1.500000e+00 : f32
    %sub3A_244 = vector.broadcast %sub3A_243 : f32 to vector<16xf32>
    %sub3A_245 = arith.subf %sub3A_244, %mul3A_242 : vector<16xf32>
    %mul3A_246 = arith.mulf %mul3A_237, %sub3A_245 : vector<16xf32>
    %mul3A_247 = arith.constant 5.000000e-01 : f32
    %mul3A_248 = vector.broadcast %mul3A_247 : f32 to vector<16xf32>
    %mul3A_249 = arith.mulf %mul3A_248, %get3A_222 : vector<16xf32>
    %mul3A_250 = arith.mulf %mul3A_249, %mul3A_246 : vector<16xf32>
    %mul3A_251 = arith.mulf %mul3A_250, %mul3A_246 : vector<16xf32>
    %sub3A_252 = arith.constant 1.500000e+00 : f32
    %sub3A_253 = vector.broadcast %sub3A_252 : f32 to vector<16xf32>
    %sub3A_254 = arith.subf %sub3A_253, %mul3A_251 : vector<16xf32>
    %mul3A_255 = arith.mulf %mul3A_246, %sub3A_254 : vector<16xf32>
    %swap3A_256 = arith.constant 96 : index
    %swap3A_257 = tpu.vector_load %arg8[%swap3A_256] {strides = array<i32>} : memref<128xf32, #tpu.memory_space<vmem>>, vector<16xf32>,
    tpu.vector_store %arg8[%swap3A_256], %mul3A_255 {strides = array<i32>} : memref<128xf32, #tpu.memory_space<vmem>>, vector<16xf32>,
    %get3A_258 = arith.constant 112 : index
    %get3A_259 = tpu.vector_load %arg8[%get3A_258] {strides = array<i32>} : memref<128xf32, #tpu.memory_space<vmem>>, vector<16xf32>,
    %add3A_260 = arith.constant 1.000000e+00 : f32
    %add3A_261 = vector.broadcast %add3A_260 : f32 to vector<16xf32>
    %add3A_262 = arith.addf %add3A_261, %get3A_259 : vector<16xf32>
    %div3A_263 = arith.constant 2.000000e+00 : f32
    %div3A_264 = vector.broadcast %div3A_263 : f32 to vector<16xf32>
    %div3A_265 = arith.divf %div3A_264, %add3A_262 : vector<16xf32>
    %mul3A_266 = arith.constant 5.000000e-01 : f32
    %mul3A_267 = vector.broadcast %mul3A_266 : f32 to vector<16xf32>
    %mul3A_268 = arith.mulf %mul3A_267, %get3A_259 : vector<16xf32>
    %mul3A_269 = arith.mulf %mul3A_268, %div3A_265 : vector<16xf32>
    %mul3A_270 = arith.mulf %mul3A_269, %div3A_265 : vector<16xf32>
    %sub3A_271 = arith.constant 1.500000e+00 : f32
    %sub3A_272 = vector.broadcast %sub3A_271 : f32 to vector<16xf32>
    %sub3A_273 = arith.subf %sub3A_272, %mul3A_270 : vector<16xf32>
    %mul3A_274 = arith.mulf %div3A_265, %sub3A_273 : vector<16xf32>
    %mul3A_275 = arith.constant 5.000000e-01 : f32
    %mul3A_276 = vector.broadcast %mul3A_275 : f32 to vector<16xf32>
    %mul3A_277 = arith.mulf %mul3A_276, %get3A_259 : vector<16xf32>
    %mul3A_278 = arith.mulf %mul3A_277, %mul3A_274 : vector<16xf32>
    %mul3A_279 = arith.mulf %mul3A_278, %mul3A_274 : vector<16xf32>
    %sub3A_280 = arith.constant 1.500000e+00 : f32
    %sub3A_281 = vector.broadcast %sub3A_280 : f32 to vector<16xf32>
    %sub3A_282 = arith.subf %sub3A_281, %mul3A_279 : vector<16xf32>
    %mul3A_283 = arith.mulf %mul3A_274, %sub3A_282 : vector<16xf32>
    %mul3A_284 = arith.constant 5.000000e-01 : f32
    %mul3A_285 = vector.broadcast %mul3A_284 : f32 to vector<16xf32>
    %mul3A_286 = arith.mulf %mul3A_285, %get3A_259 : vector<16xf32>
    %mul3A_287 = arith.mulf %mul3A_286, %mul3A_283 : vector<16xf32>
    %mul3A_288 = arith.mulf %mul3A_287, %mul3A_283 : vector<16xf32>
    %sub3A_289 = arith.constant 1.500000e+00 : f32
    %sub3A_290 = vector.broadcast %sub3A_289 : f32 to vector<16xf32>
    %sub3A_291 = arith.subf %sub3A_290, %mul3A_288 : vector<16xf32>
    %mul3A_292 = arith.mulf %mul3A_283, %sub3A_291 : vector<16xf32>
    %swap3A_293 = arith.constant 112 : index
    %swap3A_294 = tpu.vector_load %arg8[%swap3A_293] {strides = array<i32>} : memref<128xf32, #tpu.memory_space<vmem>>, vector<16xf32>,
    tpu.vector_store %arg8[%swap3A_293], %mul3A_292 {strides = array<i32>} : memref<128xf32, #tpu.memory_space<vmem>>, vector<16xf32>,
    %parallel_loop3A = arith.constant 0 : i32
    %parallel_loop3A_295 = arith.constant 3136 : i32
    %parallel_loop3A_296 = arith.constant 16 : i32
    scf.for %parallel_loop3A_297 = %parallel_loop3A to %parallel_loop3A_295 step %parallel_loop3A_296  : i32 {
      %parallel_loop3A_298 = arith.index_cast %parallel_loop3A_297 : i32 to index
      %parallel_loop3A_299 = tpu.vector_load %arg7[%parallel_loop3A_298] {strides = array<i32>} : memref<3136xi32, #tpu.memory_space<vmem>>, vector<16xi32>,
      %parallel_loop3A_300 = tpu.vector_load_idx %arg8[%parallel_loop3A_299] : memref<128xf32, #tpu.memory_space<vmem>>[vector<16xi32>], vector<16xf32>,
      %parallel_loop3A_301 = arith.index_cast %parallel_loop3A_297 : i32 to index
      %parallel_loop3A_302 = tpu.vector_load %arg6[%parallel_loop3A_301] {strides = array<i32>} : memref<3136xf32, #tpu.memory_space<vmem>>, vector<16xf32>,
      %parallel_loop3A_303 = arith.mulf %parallel_loop3A_302, %parallel_loop3A_300 : vector<16xf32>
      %parallel_loop3A_304 = arith.index_cast %parallel_loop3A_297 : i32 to index
      %parallel_loop3A_305 = tpu.vector_load %arg9[%parallel_loop3A_304] {strides = array<i32>} : memref<3136xf32, #tpu.memory_space<vmem>>, vector<16xf32>,
      tpu.vector_store %arg9[%parallel_loop3A_304], %parallel_loop3A_303 {strides = array<i32>} : memref<3136xf32, #tpu.memory_space<vmem>>, vector<16xf32>,
    } {sc.loop_unroll_factor = 8 : i64, sc.parallel_access}
    "tpu.region"() ({
      %run_scoped3A = tpu.sem_alloc : memref<!tpu.dma_semaphore, #tpu.memory_space<semaphore_mem>>
      %dma_start3A = tpu.memref_slice %arg5[%mul3A_2] : memref<100352xf32, #tpu.memory_space<hbm>> -> memref<3136xf32, #tpu.memory_space<hbm>>
      %dma_start3A_297 = tpu.memref_slice %arg5[%mul3A_2] : memref<100352xf32, #tpu.memory_space<hbm>> -> memref<3136xf32, #tpu.memory_space<hbm>>
      tpu.enqueue_dma source(%arg9 : memref<3136xf32, #tpu.memory_space<vmem>>) target(%dma_start3A_297 : memref<3136xf32, #tpu.memory_space<hbm>>) target_semaphore(%run_scoped3A : memref<!tpu.dma_semaphore, #tpu.memory_space<semaphore_mem>>)
      %dma_wait3A = tpu.memref_slice %arg5[%mul3A_2] : memref<100352xf32, #tpu.memory_space<hbm>> -> memref<3136xf32, #tpu.memory_space<hbm>>
      %dma_wait3A_298 = tpu.memref_slice %arg5[%mul3A_2] : memref<100352xf32, #tpu.memory_space<hbm>> -> memref<3136xf32, #tpu.memory_space<hbm>>
      tpu.wait_dma2 semaphore(%run_scoped3A : memref<!tpu.dma_semaphore, #tpu.memory_space<semaphore_mem>>) src(%arg9 : memref<3136xf32, #tpu.memory_space<vmem>>) dst(%dma_wait3A_298 : memref<3136xf32, #tpu.memory_space<hbm>>)
      tpu.yield
    }) : () -> ()
    return
  }
}

</mosaic_0001>

<sc_bundles>
// kernel: kernel.3.cloned.1.call-start
scs
__scs_entry_jumppad:
0x0: {  	(pc) =	sbr.rel $0x88, $3  }
0x1: {  	(tag) =	ssettag $0x0;
	lr =	simm.s32 $0x1  }
0x2: {  	[smem:$0x3F9E] =	sst lr;
	_ =	strace $0xD0000000  }
0x3: {  	_ = 	snop  }
0x4: {  	_ = 	snop  }
0x5: {  	_ = 	snop  }
0x6: {  	_ = 	snop  }
0x7: {  	_ = 	snop  }
__scs_overlays_trampoline_lowered:
0x8: {  	[smem:$0x3FAD] =	sst s0  }
0x9: {  	[smem:$0x3FAE] =	sst s1  }
0xa: {  	[smem:$0x3FAF] =	sst s2  }
0xb: {  	[smem:$0x3FB0] =	sst s3  }
0xc: {  	[smem:$0x3FB1] =	sst s4  }
0xd: {  	[smem:$0x3FB2] =	sst s5  }
0xe: {  	[smem:$0x3FB3] =	sst s6  }
0xf: {  	[smem:$0x3FB4] =	sst s7  }
0x10: {  	[smem:$0x3FB5] =	sst s8  }
0x11: {  	[smem:$0x3FB6] =	sst s9;
	s0 =	simm.s32 @!p0 $0x0  }
0x12: {  	s1 =	sld [smem:$0x3F9C];
	s0 =	simm.s32 @p0 $0x1  }
0x13: {  	[smem:$0x3FB7] =	sst s0;
	s0 =	simm.s32 @!p1 $0x0  }
0x14: {  	s2 =	sld [smem:$0x3F9B];
	s0 =	simm.s32 @p1 $0x1  }
0x15: {  	[smem:$0x3FB8] =	sst s0;
	s0 =	simm.s32 @!p2 $0x0  }
0x16: {  	s3 =	sld [smem:$0x3FDB];
	s0 =	simm.s32 @p2 $0x1  }
0x17: {  	s4 =	simm.s32 $0x1BF5;
	[smem:$0x3FBA] =	sst s0  }
0x18: {  	s0 =	sld [smem:$0x3F9D];
	_ =	swait.ge [sflag:s4], $0x0  }
0x19: {  	s7 =	sld [smem:$0x3F9E]  }
0x1a: {  	s8 =	sadd.s32 $0xFFFFE003, lr  }
0x1b: {  	s9 =	sadd.s32 $0xFFFFFEF7, lr;
	s5 =	simm.s32 $0xFFFFFFFF;
	p2 =	slt.u32 s8, $0xFFFFF086  }
0x1c: {  	p1 =	slt.u32 s9, $0xF7A;
	s5 =	simm.s32 @!p2 $0x0  }
0x1d: {  	s5 =	simm.s32 @p1 $0x1;
	p0 =	seq.s32 s7, s2  }
0x1e: {  	s7 =	smul.u32 @!p0 $0xF7A, s2;
	p2 =	seq.s32 @!p0 s5, $0x0  }
0x1f: {  	s9 =	smul.u32 $0xF7A, s1;
	s8 =	simm.s32 @!p0 $0x1BF5;
	p2 =	por !p2, p0  }
0x20: {  	[sflag:s8] =	ssyncset.s32 @!p0 $0xFFFFF086;
	s6 =	sadd.s32 @!p0 s3, s7;
	s7 =	simm.s32 @!p0 $0x108  }
0x21: {  	s3 =	sadd.s32 s3, s9;
	s6 =	sadd.s32 @!p0 $0x88, s6;
	s7 =	simm.s32 @p2 $0x1082  }
0x22: {  	[simem:s7], [sflag:s8] =	dma.local @!p0 [hbm:s6], $0xF7A  }
0x23: {  	s9 =	sor.u32 $0xD0000000, s2;
	s6 =	simm.s32 $0x108;
	_ =	swait.ge @!p0 [sflag:s8], $0x0  }
0x24: {  	s3 =	sadd.s32 $0x88, s3;
	s6 =	simm.s32 @!p1 $0x1082;
	[sflag:s4] =	ssyncset.s32 $0xFFFFF086  }
0x25: {  	[simem:s6], [sflag:s4] =	dma.local [hbm:s3], $0xF7A  }
0x26: {  	[smem:$0x3F9E] =	sst s1;
	(tag) =	ssettag s2;
	_ =	strace s9  }
0x27: {  	s1 =	sld [smem:$0x3FAE]  }
0x28: {  	s2 =	sld [smem:$0x3FAF]  }
0x29: {  	s4 =	sld [smem:$0x3FB1]  }
0x2a: {  	p0 =	seq.s32 s5, $0x0;
	s5 =	sld [smem:$0x3FB2]  }
0x2b: {  	s6 =	sld [smem:$0x3FB3]  }
0x2c: {  	s7 =	sld [smem:$0x3FB4]  }
0x2d: {  	s3 =	simm.s32 $0x108;
	s8 =	sld [smem:$0x3FB5]  }
0x2e: {  	s3 =	simm.s32 @!p0 $0x1082;
	s9 =	sld [smem:$0x3FB6]  }
0x2f: {  	lr =	sadd.s32 s0, s3;
	s0 =	sld [smem:$0x3FAD]  }
0x30: {  	s3 =	sld [smem:$0x3FB0]  }
0x31: {  	[smem:$0x3FB9] =	sst s10  }
0x32: {  	s10 =	sld [smem:$0x3FB7];
	_ =	sdelay $0x3  }
0x33: {  	p0 =	seq.s32 s10, $0x1;
	s10 =	sld [smem:$0x3FB9];
	_ =	sdelay $0x3  }
0x34: {  	[smem:$0x3FB9] =	sst s10  }
0x35: {  	s10 =	sld [smem:$0x3FB8];
	_ =	sdelay $0x3  }
0x36: {  	p1 =	seq.s32 s10, $0x1;
	s10 =	sld [smem:$0x3FB9];
	_ =	sdelay $0x3  }
0x37: {  	[smem:$0x3FB9] =	sst s10  }
0x38: {  	s10 =	sld [smem:$0x3FBA]  }
0x39: {  	_ = 	snop;
	(pc) =	sbr.ind lr, $3  }
0x3a: {  	_ = 	snop  }
0x3b: {  	_ = 	snop  }
0x3c: {  	p2 =	seq.s32 s10, $0x1;
	s10 =	sld [smem:$0x3FB9]  }
0x3d: {  	_ =	shalt  }
0x3e: {  	_ =	shalt  }
0x3f: {  	_ =	shalt  }
0x40: {  	_ =	shalt  }
0x41: {  	_ =	shalt  }
0x42: {  	_ =	shalt  }
0x43: {  	_ =	shalt  }
0x44: {  	_ =	shalt  }
0x45: {  	_ =	shalt  }
0x46: {  	_ =	shalt  }
0x47: {  	_ =	shalt  }
0x48: {  	_ =	shalt  }
0x49: {  	_ =	shalt  }
0x4a: {  	_ =	shalt  }
0x4b: {  	_ =	shalt  }
0x4c: {  	_ =	shalt  }
0x4d: {  	_ =	shalt  }
0x4e: {  	_ =	shalt  }
0x4f: {  	_ =	shalt  }
0x50: {  	_ =	shalt  }
0x51: {  	_ =	shalt  }
0x52: {  	_ =	shalt  }
0x53: {  	_ =	shalt  }
0x54: {  	_ =	shalt  }
0x55: {  	_ =	shalt  }
0x56: {  	_ =	shalt  }
0x57: {  	_ =	shalt  }
0x58: {  	_ =	shalt  }
0x59: {  	_ =	shalt  }
0x5a: {  	_ =	shalt  }
0x5b: {  	_ =	shalt  }
0x5c: {  	_ =	shalt  }
0x5d: {  	_ =	shalt  }
0x5e: {  	_ =	shalt  }
0x5f: {  	_ =	shalt  }
0x60: {  	_ =	shalt  }
0x61: {  	_ =	shalt  }
0x62: {  	_ =	shalt  }
0x63: {  	_ =	shalt  }
0x64: {  	_ =	shalt  }
0x65: {  	_ =	shalt  }
0x66: {  	_ =	shalt  }
0x67: {  	_ =	shalt  }
0x68: {  	_ =	shalt  }
0x69: {  	_ =	shalt  }
0x6a: {  	_ =	shalt  }
0x6b: {  	_ =	shalt  }
0x6c: {  	_ =	shalt  }
0x6d: {  	_ =	shalt  }
0x6e: {  	_ =	shalt  }
0x6f: {  	_ =	shalt  }
0x70: {  	_ =	shalt  }
0x71: {  	_ =	shalt  }
0x72: {  	_ =	shalt  }
0x73: {  	_ =	shalt  }
0x74: {  	_ =	shalt  }
0x75: {  	_ =	shalt  }
0x76: {  	_ =	shalt  }
0x77: {  	_ =	shalt  }
0x78: {  	_ =	shalt  }
0x79: {  	_ =	shalt  }
0x7a: {  	_ =	shalt  }
0x7b: {  	_ =	shalt  }
0x7c: {  	_ =	shalt  }
0x7d: {  	_ =	shalt  }
0x7e: {  	_ =	shalt  }
0x7f: {  	_ =	shalt  }
0x80: {  	_ =	shalt  }
0x81: {  	_ =	shalt  }
0x82: {  	_ =	shalt  }
0x83: {  	_ =	shalt  }
0x84: {  	_ =	shalt  }
0x85: {  	_ =	shalt  }
0x86: {  	_ =	shalt  }
0x87: {  	_ =	shalt  }
.Lfunc_end0:
.L_simem_size_0:
called_computation_lowered:
.L_overlay_start_0:
0x88: {  	s2 =	sld [smem:$0x3FD9]  }
0x89: {  	s3 =	sld [smem:$0x3FFE];
	_ =	sdelay $0x1  }
0x8a: {  	s1 =	srdreg.scid  }
0x8b: {  	s0 =	sand.u32 $0x1, s1  }
0x8c: {  	s17 =	sshll.u32 s0, $0xA;
	s2 =	sadd.s32 s3, s2  }
0x8d: {  	s2 =	sadd.s32 s2, s17  }
0x8e: {  	[smem:$0x3FC5] =	sst s2  }
0x8f: {  	_ = 	snop  }
0x90: {  	s2 =	sld [smem:$0x3FD0];
	(tm) =	ssettm $0x1  }
0x91: {  	s18 =	sld [smem:$0x3FFB];
	_ =	sdelay $0x3  }
0x92: {  	_ =	strace s18  }
0x93: {  	s3 =	sld [smem:$0x3FFC];
	_ =	sdelay $0x3  }
0x94: {  	_ =	strace s3  }
0x95: {  	s3 =	sld [smem:$0x3FFD];
	_ =	sdelay $0x3  }
0x96: {  	_ =	strace s3  }
0x97: {  	_ =	strace $0x8FFFFFFF  }
0x98: {  	s19 =	sld [smem:$0x3FDB];
	_ =	sdelay $0x1  }
0x99: {  	s4 =	simm.s32 $_scs_section_size  }
0x9a: {  	s5 =	simm.s32 $_size__tile_overlayer_lowered;
	s6 =	simm.s32 $_tile_overlayer_lowered  }
0x9b: {  	s22 =	simm.s32 $0x1BFF;
	s21 =	sshll.u32 s6, $0x1;
	s3 =	sadd.s32 s4, s19  }
0x9c: {  	s7 =	simm.s32 $0x0;
	s20 =	sshll.u32 s5, $0x1;
	s5 =	sadd.s32 s21, s3  }
0x9d: {  	[timem:s7], [sflag:s22] =	dma.local [hbm:s5], s20  }
0x9e: {  	_ =	swait.ge [sflag:s22], s20  }
0x9f: {  	s4 =	ssub.s32 $0x0, s20;
	[sflag:s22] =	ssyncset.done $0x0  }
0xa0: {  	[sflag:s22] =	ssyncadd.s32 s4;
	_ =	sdelay $0x1  }
0xa1: {  	s23 =	simm.s32 $0x1B8B  }
0xa2: {  	_ =	swait.ge [sflag:s23], $0x1  }
0xa3: {  	[sflag:s23] =	ssyncset.done $0x0  }
0xa4: {  	s25 =	simm.s32 $0x1B8E;
	s24 =	sld [smem:$0x3FFE];
	[sflag:s23] =	ssyncadd.s32 $0xFFFFFFFF  }
0xa5: {  	s26 =	simm.s32 $execute0_lowered;
	[smem:$0x3FD2] =	sst s25  }
0xa6: {  	s5 =	sshll.u32 s26, $0x1;
	_ =	strace $0x80000046;
	[dreg:$0x1] =	wrdreg $0xFFFFFFFF  }
0xa7: {  	s28 =	simm.s32 $_size_execute0_lowered;
	s3 =	sadd.s32 s3, s5;
	[dreg:$0x0] =	wrdreg $0x0  }
0xa8: {  	s5 =	sshll.u32 s28, $0x1;
	[dreg:$0x2] =	wrdreg s3  }
0xa9: {  	[dreg:$0x3] =	wrdreg s5  }
0xaa: {  	[dreg:$0x4] =	wrdreg $0xC0  }
0xab: {  	_ =	task [dreg:s7], $0x5FFFF  }
0xac: {  	[dreg:$0x1] =	wrdreg $0xFFFFFFFF  }
0xad: {  	[dreg:$0x0] =	wrdreg $0x60  }
0xae: {  	[dreg:$0x2] =	wrdreg s24  }
0xaf: {  	[dreg:$0x3] =	wrdreg s2  }
0xb0: {  	[dreg:$0x4] =	wrdreg $0x9  }
0xb1: {  	_ =	task.clear_ibuf [dreg:s7], $0x5FFFF;
	_ =	strace $0x90000046  }
0xb2: {  	s29 =	simm.s32 $0x9;
	_ =	strace $0x80000048  }
0xb3: {  	_ =	swait.ge [sflag:s29], $0x1  }
0xb4: {  	[sflag:s29] =	ssyncadd.s32 $0xFFFFFFFF  }
0xb5: {  	_ =	strace $0x90000048  }
0xb6: {  	_ =	sfence  }
0xb7: {  	s30 =	sld [smem:$0x0];
	_ =	sdelay $0x2  }
0xb8: {  	s31 =	sshll.u32 s1, $0xD;
	s1 =	sshrl.u32 s1, $0x2  }
0xb9: {  	s3 =	sand.u32 $0x4000, s31;
	s1 =	sadd.s32 s1, s30  }
0xba: {  	s0 =	sor.u32 s3, s0;
	s1 =	sshll.u32 s1, $0x11  }
0xbb: {  	s0 =	sor.u32 s1, s0  }
0xbc: {  	s0 =	sadd.s32 $0x8F2B, s0  }
0xbd: {  	[sflag:s0] =	ssyncadd.remote.s32 $0x1  }
0xbe: {  	_ =	sfence.sel $0xFFFF  }
0xbf: {  	[dreg:$0x0] =	wrdreg $0xFFFFFFFF;
	(pc) =	sbr.abs _section_cstart, $3  }
0xc0: {  	[dreg:$0x1] =	wrdreg $0xFFFFFFFF  }
0xc1: {  	_ =	task.clear_ibuf [dreg:s7], $0x2FFFF;
	_ =	strace $0x9FFFFFFF  }
0xc2: {  	(tm) =	ssettm $0x7FFFFFFF  }
0xc3: {  	_ =	shalt  }
tec
execute0_lowered:
.L_overlay_start_1:
0x0: {  	(tag) =	ssettag $0x1  }
0x1: {  	s3 =	rddreg [dreg:$0x0];
	s1 =	srdreg.scid  }
0x2: {  	s0 =	stileid.u32;
	s6 =	rddreg [dreg:$0x1];
	s2 =	simm.s32 $0x0  }
0x3: {  	s10 =	simm.s32 $0x1900;
	s4 =	sand.u32 $0x1, s1;
	s5 =	sshll.u32 s0, $0x1  }
0x4: {  	s11 =	simm.s32 $0x1980;
	s12 =	simm.s32 $0x0;
	s5 =	sor.u32 s4, s5  }
0x5: {  	[smem:$0x7FF] =	sst s2;
	s4 =	ssub.s32 $0x2, s4;
	s7 =	smul.u32 $0x188, s5  }
0x6: {  	s1 =	rddreg [dreg:$0x2];
	_ =	strace $0x80000047;
	s31 =	sshrl.u32 s4, $0x1  }
0x7: {  	s9 =	ssub.s32 s4, s31;
	s8 =	sadd.s32 s7, s3;
	s3 =	sadd.s32 $0x800, s3  }
0x8: {  	s6 =	sadd.s32 s6, s7;
	s7 =	smax.u32 s9, $0x1;
	s9 =	simm.s32 $0xC80  }
0x9: {  	s4 =	sadd.s32 $0xA00, s8;
	s5 =	sadd.s32 $0x3C00, s8;
	s8 =	simm.s32 $0x1  }
.LBB2_1:
0xa: {  	[tilespmem:s2], [sflag:$0x1] =	stream.linear.gather [hbm4b:s4+s2], $0xC40, $0x38;
	[tilespmem:$0x2600] =	vst v63  }
0xb: {  	_ =	swait.ge [sflag:s8], $0xC40  }
0xc: {  	[sflag:s8] =	ssyncset.done $0x0  }
0xd: {  	[sflag:s8] =	ssyncadd.s32 $0xFFFFF3C0  }
0xe: {  	[tilespmem:s9], [sflag:$0x1] =	stream.linear.gather [hbm4b:s5+s2], $0xC40, $0x38;
	[tilespmem:$0x2600] =	vst v63  }
0xf: {  	_ =	swait.ge [sflag:s8], $0xC40  }
0x10: {  	[sflag:s8] =	ssyncset.done $0x0  }
0x11: {  	[sflag:s8] =	ssyncadd.s32 $0xFFFFF3C0  }
0x12: {  	[tilespmem:s10], [sflag:$0x1] =	stream.linear.gather [hbm4b:s3+s2], $0x80, $0x38;
	[tilespmem:$0x2600] =	vst v63  }
0x13: {  	_ =	swait.ge [sflag:s8], $0x80  }
0x14: {  	[sflag:s8] =	ssyncset.done $0x0  }
0x15: {  	[sflag:s8] =	ssyncadd.s32 $0xFFFFFF80  }
0x16: {  	v0 =	vld [tilespmem:$0x1900]  }
0x17: {  	v1 =	vld [tilespmem:$0x1910];
	_ =	sdelay $0x3  }
0x18: {  	v2 =	vadd.f32 $1.000000000e+00, v0  }
0x19: {  	v3 =	vadd.f32 $1.000000000e+00, v1  }
0x1a: {  	(erf) = vrcp.f32 v2  }
0x1b: {  	(erf) = vrcp.f32 v3;
	_ =	sdelay $0x7  }
0x1c: {  	v2 =	vpop (erf)  }
0x1d: {  	v0 =	vmul.f32 $5.000000000e-01, v0;
	v2 =	vadd.f32 v2, v2;
	v3 =	vpop (erf)  }
0x1e: {  	v1 =	vmul.f32 $5.000000000e-01, v1;
	v3 =	vadd.f32 v3, v3  }
0x1f: {  	v4 =	vmul.f32 v2, v0  }
0x20: {  	v6 =	vld [tilespmem:$0x1920];
	v5 =	vmul.f32 v3, v1  }
0x21: {  	v7 =	vld [tilespmem:$0x1930];
	v4 =	vmul.f32 v4, v2  }
0x22: {  	v5 =	vmul.f32 v5, v3  }
0x23: {  	v4 =	vsub.f32 $1.500000000e+00, v4  }
0x24: {  	v5 =	vsub.f32 $1.500000000e+00, v5  }
0x25: {  	v2 =	vmul.f32 v4, v2;
	v4 =	vadd.f32 $1.000000000e+00, v6  }
0x26: {  	v3 =	vmul.f32 v5, v3;
	v5 =	vadd.f32 $1.000000000e+00, v7  }
0x27: {  	v8 =	vmul.f32 v2, v0;
	(erf) = vrcp.f32 v4  }
0x28: {  	v4 =	vmul.f32 v3, v1;
	(erf) = vrcp.f32 v5;
	v5 =	vld [tilespmem:$0x1940]  }
0x29: {  	v9 =	vld [tilespmem:$0x1950];
	v8 =	vmul.f32 v8, v2  }
0x2a: {  	v4 =	vmul.f32 v4, v3  }
0x2b: {  	v10 =	vld [tilespmem:$0x1960];
	v8 =	vsub.f32 $1.500000000e+00, v8  }
0x2c: {  	v11 =	vld [tilespmem:$0x1970];
	v4 =	vsub.f32 $1.500000000e+00, v4  }
0x2d: {  	v2 =	vmul.f32 v8, v2;
	v8 =	vadd.f32 $1.000000000e+00, v5  }
0x2e: {  	v3 =	vmul.f32 v4, v3;
	v4 =	vadd.f32 $1.000000000e+00, v9  }
0x2f: {  	v6 =	vmul.f32 $5.000000000e-01, v6;
	(erf) = vrcp.f32 v8  }
0x30: {  	v7 =	vmul.f32 $5.000000000e-01, v7;
	v8 =	vadd.f32 $1.000000000e+00, v10;
	v12 =	vpop (erf);
	(erf) = vrcp.f32 v4  }
0x31: {  	v0 =	vmul.f32 v2, v0;
	v4 =	vadd.f32 $1.000000000e+00, v11;
	v12 =	vadd.f32 v12, v12;
	v13 =	vpop (erf)  }
0x32: {  	v1 =	vmul.f32 v3, v1;
	(erf) = vrcp.f32 v8;
	v8 =	vadd.f32 v13, v13  }
0x33: {  	(erf) = vrcp.f32 v4;
	v4 =	vmul.f32 v12, v6  }
0x34: {  	v0 =	vmul.f32 v0, v2;
	v13 =	vmul.f32 v8, v7  }
0x35: {  	v1 =	vmul.f32 v1, v3;
	v4 =	vmul.f32 v4, v12  }
0x36: {  	v0 =	vsub.f32 $1.500000000e+00, v0;
	v13 =	vmul.f32 v13, v8  }
0x37: {  	v5 =	vmul.f32 $5.000000000e-01, v5;
	v1 =	vsub.f32 $1.500000000e+00, v1;
	v4 =	vsub.f32 $1.500000000e+00, v4  }
0x38: {  	v10 =	vmul.f32 $5.000000000e-01, v10;
	v0 =	vmul.f32 v0, v2;
	v14 =	vpop (erf);
	v2 =	vsub.f32 $1.500000000e+00, v13  }
0x39: {  	v1 =	vmul.f32 v1, v3;
	v3 =	vpop (erf);
	v4 =	vmul.f32 v4, v12;
	v48 =	vadd.f32 v14, v14  }
0x3a: {  	v2 =	vmul.f32 v2, v8;
	v3 =	vadd.f32 v3, v3;
	v8 =	vmul.f32 $5.000000000e-01, v9  }
0x3b: {  	v11 =	vmul.f32 $5.000000000e-01, v11;
	v49 =	vpop (erf);
	v9 =	vmul.f32 v48, v5  }
0x3c: {  	v13 =	vadd.f32 v49, v49;
	v50 =	vpop (erf);
	v18 =	vmul.f32 v4, v6;
	v15 =	vmul.f32 v3, v8  }
0x3d: {  	v14 =	vadd.f32 v50, v50;
	v19 =	vmul.f32 v2, v7;
	v9 =	vmul.f32 v9, v48  }
0x3e: {  	v16 =	vmul.f32 v13, v10;
	v18 =	vmul.f32 v18, v4  }
0x3f: {  	v15 =	vmul.f32 v15, v3;
	v17 =	vmul.f32 v14, v11;
	v9 =	vsub.f32 $1.500000000e+00, v9  }
0x40: {  	v52 =	vmul.f32 v19, v2;
	v16 =	vmul.f32 v16, v13;
	v18 =	vsub.f32 $1.500000000e+00, v18  }
0x41: {  	v15 =	vsub.f32 $1.500000000e+00, v15;
	v17 =	vmul.f32 v17, v14;
	v9 =	vmul.f32 v9, v48  }
0x42: {  	v51 =	vsub.f32 $1.500000000e+00, v16;
	v16 =	vsub.f32 $1.500000000e+00, v52;
	v4 =	vmul.f32 v18, v4  }
0x43: {  	v3 =	vmul.f32 v15, v3;
	v53 =	vsub.f32 $1.500000000e+00, v17;
	v54 =	vmul.f32 v9, v5  }
0x44: {  	v12 =	vmul.f32 v51, v13;
	v2 =	vmul.f32 v16, v2  }
0x45: {  	v55 =	vmul.f32 v3, v8;
	v14 =	vmul.f32 v53, v14  }
0x46: {  	v56 =	vmul.f32 v54, v9;
	v57 =	vmul.f32 v12, v10  }
0x47: {  	v13 =	vmul.f32 v55, v3;
	v58 =	vmul.f32 v14, v11  }
0x48: {  	v6 =	vmul.f32 v4, v6;
	v17 =	vmul.f32 v57, v12;
	v15 =	vsub.f32 $1.500000000e+00, v56  }
0x49: {  	v7 =	vmul.f32 v2, v7;
	v13 =	vsub.f32 $1.500000000e+00, v13;
	v19 =	vmul.f32 v58, v14  }
0x4a: {  	v6 =	vmul.f32 v6, v4;
	v59 =	vsub.f32 $1.500000000e+00, v17;
	v9 =	vmul.f32 v15, v9  }
0x4b: {  	v7 =	vmul.f32 v7, v2;
	v3 =	vmul.f32 v13, v3;
	v60 =	vsub.f32 $1.500000000e+00, v19  }
0x4c: {  	v12 =	vmul.f32 v59, v12;
	v5 =	vmul.f32 v9, v5  }
0x4d: {  	v13 =	vmul.f32 v60, v14;
	v8 =	vmul.f32 v3, v8  }
0x4e: {  	v6 =	vsub.f32 $1.500000000e+00, v6;
	v5 =	vmul.f32 v5, v9;
	v10 =	vmul.f32 v12, v10  }
0x4f: {  	v7 =	vsub.f32 $1.500000000e+00, v7;
	v8 =	vmul.f32 v8, v3;
	v11 =	vmul.f32 v13, v11  }
0x50: {  	[tilespmem:$0x1900] =	vst v0;
	v0 =	vmul.f32 v6, v4;
	v4 =	vsub.f32 $1.500000000e+00, v5;
	v5 =	vmul.f32 v10, v12  }
0x51: {  	[tilespmem:$0x1910] =	vst v1;
	v1 =	vmul.f32 v7, v2;
	v2 =	vsub.f32 $1.500000000e+00, v8;
	v6 =	vmul.f32 v11, v13  }
0x52: {  	[tilespmem:$0x1920] =	vst v0;
	v0 =	vmul.f32 v4, v9;
	v4 =	vsub.f32 $1.500000000e+00, v5  }
0x53: {  	[tilespmem:$0x1930] =	vst v1;
	v1 =	vmul.f32 v2, v3;
	v2 =	vsub.f32 $1.500000000e+00, v6  }
0x54: {  	[tilespmem:$0x1940] =	vst v0;
	v0 =	vmul.f32 v4, v12  }
0x55: {  	[tilespmem:$0x1950] =	vst v1;
	v1 =	vmul.f32 v2, v13  }
0x56: {  	[tilespmem:$0x1960] =	vst v0  }
0x57: {  	s13 =	simm.s32 $0xCC0;
	[tilespmem:$0x1970] =	vst v1  }
0x58: {  	v0 =	vld [tilespmem:s13+$0x30]  }
0x59: {  	v1 =	vld [tilespmem:s13+$0xFFFFFFD0]  }
0x5a: {  	v2 =	vld [tilespmem:s13+$0xFFFFFFE0]  }
0x5b: {  	v3 =	vld [tilespmem:s13+$0xFFFFFFF0]  }
0x5c: {  	v5 =	vld [tilespmem:s13+$0x0]  }
0x5d: {  	v6 =	vld [tilespmem:s13+$0x10]  }
0x5e: {  	v7 =	vld [tilespmem:s13+$0x20]  }
0x5f: {  	s17 =	simm.s32 $0x40;
	v8 =	vld [tilespmem:s13+$0xFFFFFFC0]  }
0x60: {  	v11 =	vld [tilespmem:s17+$0x30]  }
0x61: {  	v62 =	vld [tilespmem:s17+$0xFFFFFFC0]  }
0x62: {  	v63 =	vld [tilespmem:s17+$0xFFFFFFD0]  }
0x63: {  	v9 =	vld [tilespmem:s17+$0xFFFFFFE0]  }
0x64: {  	v10 =	vld.idx.msk [tilespmem:v0+s10+$0x0], $0xffff  }
0x65: {  	v61 =	vld.idx.msk [tilespmem:v1+s10+$0x0], $0xffff  }
0x66: {  	v4 =	vld.idx.msk [tilespmem:v2+s10+$0x0], $0xffff  }
0x67: {  	v3 =	vld.idx.msk [tilespmem:v3+s10+$0x0], $0xffff  }
0x68: {  	v2 =	vld.idx.msk [tilespmem:v5+s10+$0x0], $0xffff  }
0x69: {  	v8 =	vld.idx.msk [tilespmem:v8+s10+$0x0], $0xffff  }
0x6a: {  	v0 =	vld.idx.msk [tilespmem:v6+s10+$0x0], $0xffff  }
0x6b: {  	v1 =	vld.idx.msk [tilespmem:v7+s10+$0x0], $0xffff  }
0x6c: {  	v6 =	vld [tilespmem:s17+$0xFFFFFFF0]  }
0x6d: {  	s18 =	simm.s32 $0x19C0;
	v5 =	vld [tilespmem:s17+$0x0];
	v10 =	vmul.f32 v11, v10  }
0x6e: {  	s19 =	simm.s32 $0x0;
	s14 =	simm.s32 $0xBF0;
	s15 =	simm.s32 $0x2580;
	v7 =	vld [tilespmem:s17+$0x10];
	v11 =	vmul.f32 v62, v8  }
0x6f: {  	s16 =	simm.s32 $0xC00;
	s20 =	simm.s32 $0xD40;
	s13 =	simm.s32 $0x1880;
	v8 =	vld [tilespmem:s17+$0x20];
	[tilespmem:s18+$0x30] =	vst v10;
	v10 =	vmul.f32 v63, v61  }
.LBB2_2:
0x70: {  	v12 =	vld [tilespmem:s20+$0x30];
	s19 =	sadd.s32 $0x80, s19;
	[tilespmem:s18+$0xFFFFFFC0] =	vst v11;
	v4 =	vmul.f32 v9, v4  }
0x71: {  	v9 =	vld [tilespmem:s20+$0xFFFFFFD0];
	p0 =	slt.u32 s19, $0xB80;
	[tilespmem:s18+$0xFFFFFFD0] =	vst v10;
	v3 =	vmul.f32 v6, v3  }
0x72: {  	v6 =	vld [tilespmem:s20+$0xFFFFFFE0];
	[tilespmem:s18+$0xFFFFFFE0] =	vst v4;
	v2 =	vmul.f32 v5, v2  }
0x73: {  	v5 =	vld [tilespmem:s20+$0xFFFFFFF0];
	[tilespmem:s18+$0xFFFFFFF0] =	vst v3;
	v0 =	vmul.f32 v7, v0  }
0x74: {  	v7 =	vld [tilespmem:s20+$0x0];
	[tilespmem:s18+$0x0] =	vst v2;
	v1 =	vmul.f32 v8, v1  }
0x75: {  	v8 =	vld [tilespmem:s20+$0x10];
	[tilespmem:s18+$0x10] =	vst v0  }
0x76: {  	v10 =	vld [tilespmem:s20+$0x20];
	[tilespmem:s18+$0x20] =	vst v1  }
0x77: {  	v1 =	vld [tilespmem:s20+$0xFFFFFFC0]  }
0x78: {  	s17 =	sadd.s32 $0x80, s17;
	v11 =	vld.idx.msk [tilespmem:v12+s10+$0x0], $0xffff  }
0x79: {  	v12 =	vld [tilespmem:s17+$0x30]  }
0x7a: {  	v13 =	vld.idx.msk [tilespmem:v9+s10+$0x0], $0xffff  }
0x7b: {  	v4 =	vld.idx.msk [tilespmem:v6+s10+$0x0], $0xffff  }
0x7c: {  	v3 =	vld.idx.msk [tilespmem:v5+s10+$0x0], $0xffff  }
0x7d: {  	v2 =	vld.idx.msk [tilespmem:v7+s10+$0x0], $0xffff  }
0x7e: {  	v0 =	vld.idx.msk [tilespmem:v8+s10+$0x0], $0xffff;
	v5 =	vmul.f32 v12, v11  }
0x7f: {  	s18 =	sadd.s32 $0x80, s18;
	v7 =	vld.idx.msk [tilespmem:v1+s10+$0x0], $0xffff  }
0x80: {  	v1 =	vld.idx.msk [tilespmem:v10+s10+$0x0], $0xffff;
	[tilespmem:s18+$0x30] =	vst v5  }
0x81: {  	v8 =	vld [tilespmem:s17+$0xFFFFFFC0]  }
0x82: {  	v10 =	vld [tilespmem:s17+$0xFFFFFFD0]  }
.Ltmp0:
0x83: {  	v9 =	vld [tilespmem:s17+$0xFFFFFFE0];
	(pc) =	sbr.rel @p0 .LBB2_2-.Ltmp0, $4  }
0x84: {  	v6 =	vld [tilespmem:s17+$0xFFFFFFF0]  }
0x85: {  	v5 =	vld [tilespmem:s17+$0x0]  }
0x86: {  	v11 =	vmul.f32 v8, v7;
	v7 =	vld [tilespmem:s17+$0x10]  }
0x87: {  	s20 =	sadd.s32 $0x80, s20;
	v10 =	vmul.f32 v10, v13;
	v8 =	vld [tilespmem:s17+$0x20]  }
0x88: {  	[tilespmem:s18+$0xFFFFFFC0] =	vst v11;
	v4 =	vmul.f32 v9, v4  }
0x89: {  	[tilespmem:s18+$0xFFFFFFD0] =	vst v10;
	v3 =	vmul.f32 v6, v3  }
0x8a: {  	[tilespmem:s18+$0xFFFFFFE0] =	vst v4;
	v2 =	vmul.f32 v5, v2  }
0x8b: {  	[tilespmem:s18+$0xFFFFFFF0] =	vst v3;
	v0 =	vmul.f32 v7, v0  }
0x8c: {  	[tilespmem:s18+$0x0] =	vst v2;
	v1 =	vmul.f32 v8, v1  }
0x8d: {  	[tilespmem:s18+$0x10] =	vst v0  }
0x8e: {  	[tilespmem:s18+$0x20] =	vst v1  }
.LBB2_4:
0x8f: {  	v0 =	vld [tilespmem:s13+$0x0];
	_ =	sdelay $0x6  }
0x90: {  	v1 =	vld [tilespmem:s16+$0x0]  }
0x91: {  	v0 =	vld.idx.msk [tilespmem:v0+s10+$0x0], $0xffff  }
0x92: {  	s14 =	sadd.s32 $0x10, s14  }
0x93: {  	p0 =	slt.u32 s14, $0xC30  }
.Ltmp1:
0x94: {  	_ = 	snop;
	(pc) =	sbr.rel @p0 .LBB2_4-.Ltmp1, $3  }
0x95: {  	_ = 	snop  }
0x96: {  	v0 =	vmul.f32 v1, v0;
	_ =	sdelay $0x1  }
0x97: {  	s16 =	sadd.s32 $0x10, s16;
	s13 =	sadd.s32 $0x10, s13;
	[tilespmem:s15+$0x0] =	vst v0;
	s15 =	sadd.s32 $0x10, s15  }
0x98: {  	s12 =	sadd.s32 $0x1, s12  }
0x99: {  	p0 =	sne.s32 s12, s7  }
.Ltmp2:
0x9a: {  	_ = 	snop;
	(pc) =	sbr.rel @p0 .LBB2_1-.Ltmp2, $4  }
0x9b: {  	[hbm4b:s6+s2] =	stream.linear.scatter [tilespmem:s11], [sflag:$0x1], $0xC40, $0x38;
	[tilespmem:$0x2600] =	vst v63  }
0x9c: {  	_ =	swait.ge [sflag:s8], $0xC40  }
0x9d: {  	[sflag:s8] =	ssyncset.done $0x0  }
0x9e: {  	[sflag:s8] =	ssyncadd.s32 $0xFFFFF3C0  }
0x9f: {  	_ =	sfence.sel $0x180000  }
0xa0: {  	[bflag:$0x0] =	sbarrier.arrive $0xFFFF  }
0xa1: {  	p0 =	sne.s32 s0, $0x0;
	_ =	strace $0x90000047  }
0xa2: {  	s0 =	sadd.s32 @!p0 $0x100000, s1;
	[bflag:$0x2] =	sbarrier.arrive $0xFFFF  }
0xa3: {  	[sflag:s0] =	ssyncadd.tile.s32 @!p0 $0x1;
	_ =	shalt  }
.Lfunc_end2:
_tile_overlayer_lowered:
.L_overlay_start_2:
0xa4: {  	(tag) =	ssettag $0x2  }
0xa5: {  	s0 =	rddreg [dreg:$0x0];
	s2 =	stileid.u32  }
0xa6: {  	s1 =	rddreg [dreg:$0x1];
	p0 =	sne.s32 s2, $0x0  }
0xa7: {  	s3 =	rddreg [dreg:$0x2];
	[bflag:$0x3] =	sbarrier.arrive $0xFFFF;
	s2 =	simm.s32 @!p0 $0x1C01  }
0xa8: {  	[timem:s3], [sflag:s2] =	dma.local @!p0 [hbm:s0], s1  }
0xa9: {  	s0 =	simm.s32 @!p0 $0x1  }
0xaa: {  	_ =	swait.ge @!p0 [sflag:s0], s1  }
0xab: {  	s1 =	ssub.s32 @!p0 $0x0, s1;
	[sflag:s0] =	ssyncset.done @!p0 $0x0  }
0xac: {  	[sflag:s0] =	ssyncadd.s32 @!p0 s1  }
0xad: {  	[bflag:$0x3] =	sbarrier.arrive $0xFFFF  }
0xae: {  	_ =	shalt  }

</sc_bundles>
